<compile_context>
chip_gen: v7x
topology: tpu7x:2x2x1
jax: 0.10.2.dev20260603
libtpu: 0.0.44.dev20260713+nightly
codegen_flags: <defaults>
</compile_context>

<pallas_src>
import functools

import jax
import jax.numpy as jnp
from jax import lax
from jax.experimental import pallas as pl
from jax.experimental.pallas import tpu as pltpu
from jax.experimental.pallas import tpu_sc as plsc

NC = 2
NS = 16
NW = NC * NS
C = 512


def _make_gather(R, D, rpw, nchunk):
  mesh = plsc.VectorSubcoreMesh(core_axis_name="c", subcore_axis_name="s")

  @functools.partial(
      pl.kernel,
      mesh=mesh,
      compiler_params=pltpu.CompilerParams(use_tc_tiling_on_sc=False),
      out_type=jax.ShapeDtypeStruct((R, D), jnp.float32),
      scratch_types=[
          pltpu.VMEM((rpw,), jnp.int32),
          pltpu.VMEM((C, D), jnp.float32),
          pltpu.VMEM((C, D), jnp.float32),
          pltpu.SemaphoreType.DMA,
          pltpu.SemaphoreType.DMA,
      ],
  )
  def gather_kernel(table_hbm, idx_hbm, out_hbm, idx_v, rows0, rows1, s0, s1):
    wid = lax.axis_index("s") * NC + lax.axis_index("c")
    base = wid * rpw
    pltpu.sync_copy(idx_hbm.at[pl.ds(base, rpw)], idx_v)

    def gstart(j, buf, sem):
      pltpu.make_async_copy(
          table_hbm.at[idx_v.at[pl.ds(j * C, C)]], buf, sem).start()

    def gwait(buf, sem):
      pltpu.make_async_copy(table_hbm.at[pl.ds(0, C)], buf, sem).wait()

    def store(j, buf):
      pltpu.sync_copy(buf, out_hbm.at[pl.ds(base + j * C, C)])

    gstart(0, rows0, s0)

    def pair(p, carry):
      j = 2 * p
      gwait(rows0, s0)
      gstart(j + 1, rows1, s1)
      store(j, rows0)

      @pl.when(j + 2 < nchunk)
      def _():
        gstart(j + 2, rows0, s0)

      gwait(rows1, s1)
      store(j + 1, rows1)
      return carry

    lax.fori_loop(0, nchunk // 2, pair, 0)

  return gather_kernel


def _mlp_body(cat_ref, num_ref, w1a_ref, w1b_ref, b1_ref, w2_ref, b2_ref,
              w3_ref, b3_ref, out_ref):
  h = jnp.dot(cat_ref[...], w1a_ref[...], preferred_element_type=jnp.float32)
  h = h + jnp.dot(num_ref[...], w1b_ref[...],
                  preferred_element_type=jnp.float32)
  h = jnp.maximum(h + b1_ref[...], 0.0)
  h = jnp.dot(h, w2_ref[...], preferred_element_type=jnp.float32)
  h = jnp.maximum(h + b2_ref[...], 0.0)
  out_ref[...] = jnp.sum(h * w3_ref[...], axis=1, keepdims=True) + b3_ref[...]


def _mlp(cat_features, x_num, W1a, W1b, b1, W2, b2, w3row, b3, blk):
  B = cat_features.shape[0]
  FD = cat_features.shape[1]
  NUMD = x_num.shape[1]
  H1 = W1a.shape[1]
  H2 = W2.shape[1]
  grid = B // blk
  return pl.pallas_call(
      _mlp_body,
      grid=(grid,),
      in_specs=[
          pl.BlockSpec((blk, FD), lambda i: (i, 0)),
          pl.BlockSpec((blk, NUMD), lambda i: (i, 0)),
          pl.BlockSpec((FD, H1), lambda i: (0, 0)),
          pl.BlockSpec((NUMD, H1), lambda i: (0, 0)),
          pl.BlockSpec((1, H1), lambda i: (0, 0)),
          pl.BlockSpec((H1, H2), lambda i: (0, 0)),
          pl.BlockSpec((1, H2), lambda i: (0, 0)),
          pl.BlockSpec((1, H2), lambda i: (0, 0)),
          pl.BlockSpec((1, 1), lambda i: (0, 0)),
      ],
      out_specs=pl.BlockSpec((blk, 1), lambda i: (i, 0)),
      out_shape=jax.ShapeDtypeStruct((B, 1), jnp.float32),
  )(cat_features, x_num, W1a, W1b, b1, W2, b2, w3row, b3)


def kernel(x_cat, x_num, tables, W1, b1, W2, b2, W3, b3):
  B, F = x_cat.shape
  _, V, D = tables.shape
  FD = F * D
  R = B * F
  rpw = R // NW
  nchunk = rpw // C

  flat_idx = (x_cat.astype(jnp.int32)
              + (jnp.arange(F, dtype=jnp.int32) * V)[None, :]).reshape(R)
  table2d = tables.reshape(F * V, D)

  rows = _make_gather(R, D, rpw, nchunk)(table2d, flat_idx)
  cat_features = rows.reshape(B, FD)

  out = _mlp(cat_features, x_num,
             W1[:FD], W1[FD:], b1.reshape(1, -1),
             W2, b2.reshape(1, -1),
             W3.reshape(1, -1), b3.reshape(1, 1), blk=512)
  return out.reshape(B)

# --- scband reference (transcript-rebuilt; emitter-appended) ---
"""Pipeline reference for scband-mlpbaseline-11776800326202 (READ-ONLY COPY).

The authoritative reference and input builder live on the scoring server;
editing this copy changes nothing except your own understanding.
"""

import jax, jax.numpy as jnp
import numpy as np

B = 16384
F = 26
V = 100000
D = 32
NUM = 13
IN_DIM = F * D + NUM  # 845


def setup_inputs(seed: int = 0) -> dict:
    key = jax.random.key(seed)
    ks = jax.random.split(key, 10)
    x_cat = jax.random.randint(ks[0], (B, F), 0, V, dtype=jnp.int32)
    x_num = jax.random.normal(ks[1], (B, NUM), dtype=jnp.float32)
    # Learned parameters: 26 embedding tables (stacked, equal cardinality) + 3-layer MLP
    tables = jax.random.normal(ks[2], (F, V, D), dtype=jnp.float32) * 0.01
    W1 = jax.random.normal(ks[3], (IN_DIM, 128), dtype=jnp.float32) * 0.02
    b1 = jnp.zeros((128,), dtype=jnp.float32)
    W2 = jax.random.normal(ks[4], (128, 64), dtype=jnp.float32) * 0.05
    b2 = jnp.zeros((64,), dtype=jnp.float32)
    W3 = jax.random.normal(ks[5], (64, 1), dtype=jnp.float32) * 0.05
    b3 = jnp.zeros((1,), dtype=jnp.float32)
    return {"x_cat": x_cat, "x_num": x_num, "tables": tables,
            "W1": W1, "b1": b1, "W2": W2, "b2": b2, "W3": W3, "b3": b3}


def reference(x_cat, x_num, tables, W1, b1, W2, b2, W3, b3):
    # Per-field embedding lookup: tables[f, x_cat[:, f]] -> [B, F, D]
    field_ids = jnp.arange(F)[None, :]
    emb = tables[field_ids, x_cat]  # gather, [B, F, D]
    cat_features = emb.reshape(x_cat.shape[0], F * D)
    features = jnp.concatenate([cat_features, x_num], axis=1)
    # classifier (dropout is identity in eval mode)
    h = jax.nn.relu(features @ W1 + b1)
    h = jax.nn.relu(h @ W2 + b2)
    out = (h @ W3 + b3)
    return out.squeeze(1)

if __name__ == "__main__":
    import jax
    _d = setup_inputs()
    print(jax.jit(kernel)(*tuple(_d.values())))

</pallas_src>

<mosaic_0001>
#map = affine_map<(d0, d1) -> (0, 0)>
#map1 = affine_map<(d0, d1) -> (0)>
module attributes {stable_mosaic.version = 14 : i64} {
  func.func @gather_kernel(%arg0: i32, %arg1: i32, %arg2: memref<2600000x32xf32, #tpu.memory_space<hbm>>, %arg3: memref<425984xi32, #tpu.memory_space<hbm>>, %arg4: memref<425984x32xf32, #tpu.memory_space<hbm>>, %arg5: memref<13312xi32, #tpu.memory_space<vmem>>, %arg6: memref<512x32xf32, #tpu.memory_space<vmem>>, %arg7: memref<512x32xf32, #tpu.memory_space<vmem>>, %arg8: memref<!tpu.dma_semaphore, #tpu.memory_space<semaphore_mem>>, %arg9: memref<!tpu.dma_semaphore, #tpu.memory_space<semaphore_mem>>) attributes {dimension_semantics = [#tpu.dimension_semantics<core_parallel>, #tpu.dimension_semantics<subcore_parallel>], iteration_bounds = array<i64: 2, 16>, scalar_prefetch = 0 : i64, scratch_operands = 5 : i64, tpu.core_type = #tpu.core_type<sc_vector_subcore>, window_params = [{transform_indices = #map}, {transform_indices = #map1}, {transform_indices = #map}]} {
    %mul3A = arith.constant 2 : i32
    %mul3A_0 = arith.muli %arg1, %mul3A : i32
    %add3A = arith.addi %mul3A_0, %arg0 : i32
    %mul3A_1 = arith.constant 13312 : i32
    %mul3A_2 = arith.muli %add3A, %mul3A_1 : i32
    "tpu.region"() ({
      %run_scoped3A = tpu.sem_alloc : memref<!tpu.dma_semaphore, #tpu.memory_space<semaphore_mem>>
      %dma_start3A_12 = tpu.memref_slice %arg3[%mul3A_2] : memref<425984xi32, #tpu.memory_space<hbm>> -> memref<13312xi32, #tpu.memory_space<hbm>>
      %dma_start3A_13 = tpu.memref_slice %arg3[%mul3A_2] : memref<425984xi32, #tpu.memory_space<hbm>> -> memref<13312xi32, #tpu.memory_space<hbm>>
      tpu.enqueue_dma source(%dma_start3A_13 : memref<13312xi32, #tpu.memory_space<hbm>>) target(%arg5 : memref<13312xi32, #tpu.memory_space<vmem>>) target_semaphore(%run_scoped3A : memref<!tpu.dma_semaphore, #tpu.memory_space<semaphore_mem>>)
      %dma_wait3A = tpu.memref_slice %arg3[%mul3A_2] : memref<425984xi32, #tpu.memory_space<hbm>> -> memref<13312xi32, #tpu.memory_space<hbm>>
      %dma_wait3A_14 = tpu.memref_slice %arg3[%mul3A_2] : memref<425984xi32, #tpu.memory_space<hbm>> -> memref<13312xi32, #tpu.memory_space<hbm>>
      tpu.wait_dma2 semaphore(%run_scoped3A : memref<!tpu.dma_semaphore, #tpu.memory_space<semaphore_mem>>) src(%dma_wait3A_14 : memref<13312xi32, #tpu.memory_space<hbm>>) dst(%arg5 : memref<13312xi32, #tpu.memory_space<vmem>>)
      tpu.yield
    }) : () -> ()
    %dma_start3A = arith.constant 0 : i32
    %dma_start3A_3 = tpu.memref_slice %arg5[%dma_start3A] : memref<13312xi32, #tpu.memory_space<vmem>> -> memref<512xi32, #tpu.memory_space<vmem>>
    %dma_start3A_4 = arith.constant 0 : i32
    %dma_start3A_5 = arith.constant 0 : i32
    %dma_start3A_6 = tpu.memref_slice %arg2[%dma_start3A_4, %dma_start3A_5] : memref<2600000x32xf32, #tpu.memory_space<hbm>> -> memref<2600000x32xf32, #tpu.memory_space<hbm>>
    tpu.enqueue_indirect_dma source(%dma_start3A_6 : memref<2600000x32xf32, #tpu.memory_space<hbm>>) target(%arg6 : memref<512x32xf32, #tpu.memory_space<vmem>>) offsets(%dma_start3A_3 : memref<512xi32, #tpu.memory_space<vmem>>) semaphore(%arg8 : memref<!tpu.dma_semaphore, #tpu.memory_space<semaphore_mem>>)
    %scan3A = arith.constant 0 : i32
    %scan3A_7 = arith.constant 0 : i32
    %scan3A_8 = arith.constant 13 : i32
    %scan3A_9 = arith.addi %scan3A_7, %scan3A_8 : i32
    %scan3A_10 = arith.constant 1 : i32
    scf.for %scan3A_12 = %scan3A_7 to %scan3A_9 step %scan3A_10  : i32 {
      %mul3A_13 = arith.constant 2 : i32
      %mul3A_14 = arith.muli %mul3A_13, %scan3A_12 : i32
      %dma_wait3A = arith.constant 0 : i32
      %dma_wait3A_15 = arith.constant 0 : i32
      %dma_wait3A_16 = tpu.memref_slice %arg2[%dma_wait3A, %dma_wait3A_15] : memref<2600000x32xf32, #tpu.memory_space<hbm>> -> memref<512x32xf32, #tpu.memory_space<hbm>>
      %dma_wait3A_17 = arith.constant 0 : i32
      %dma_wait3A_18 = arith.constant 0 : i32
      %dma_wait3A_19 = tpu.memref_slice %arg2[%dma_wait3A_17, %dma_wait3A_18] : memref<2600000x32xf32, #tpu.memory_space<hbm>> -> memref<512x32xf32, #tpu.memory_space<hbm>>
      tpu.wait_dma2 semaphore(%arg8 : memref<!tpu.dma_semaphore, #tpu.memory_space<semaphore_mem>>) src(%dma_wait3A_19 : memref<512x32xf32, #tpu.memory_space<hbm>>) dst(%arg6 : memref<512x32xf32, #tpu.memory_space<vmem>>)
      %add3A_20 = arith.constant 1 : i32
      %add3A_21 = arith.addi %mul3A_14, %add3A_20 : i32
      %mul3A_22 = arith.constant 512 : i32
      %mul3A_23 = arith.muli %add3A_21, %mul3A_22 : i32
      %dma_start3A_24 = tpu.memref_slice %arg5[%mul3A_23] : memref<13312xi32, #tpu.memory_space<vmem>> -> memref<512xi32, #tpu.memory_space<vmem>>
      %dma_start3A_25 = arith.constant 0 : i32
      %dma_start3A_26 = arith.constant 0 : i32
      %dma_start3A_27 = tpu.memref_slice %arg2[%dma_start3A_25, %dma_start3A_26] : memref<2600000x32xf32, #tpu.memory_space<hbm>> -> memref<2600000x32xf32, #tpu.memory_space<hbm>>
      tpu.enqueue_indirect_dma source(%dma_start3A_27 : memref<2600000x32xf32, #tpu.memory_space<hbm>>) target(%arg7 : memref<512x32xf32, #tpu.memory_space<vmem>>) offsets(%dma_start3A_24 : memref<512xi32, #tpu.memory_space<vmem>>) semaphore(%arg9 : memref<!tpu.dma_semaphore, #tpu.memory_space<semaphore_mem>>)
      %mul3A_28 = arith.constant 512 : i32
      %mul3A_29 = arith.muli %mul3A_14, %mul3A_28 : i32
      %add3A_30 = arith.addi %mul3A_2, %mul3A_29 : i32
      "tpu.region"() ({
        %run_scoped3A = tpu.sem_alloc : memref<!tpu.dma_semaphore, #tpu.memory_space<semaphore_mem>>
        %dma_start3A_46 = arith.constant 0 : i32
        %dma_start3A_47 = tpu.memref_slice %arg4[%add3A_30, %dma_start3A_46] : memref<425984x32xf32, #tpu.memory_space<hbm>> -> memref<512x32xf32, #tpu.memory_space<hbm>>
        %dma_start3A_48 = arith.constant 0 : i32
        %dma_start3A_49 = tpu.memref_slice %arg4[%add3A_30, %dma_start3A_48] : memref<425984x32xf32, #tpu.memory_space<hbm>> -> memref<512x32xf32, #tpu.memory_space<hbm>>
        tpu.enqueue_dma source(%arg6 : memref<512x32xf32, #tpu.memory_space<vmem>>) target(%dma_start3A_49 : memref<512x32xf32, #tpu.memory_space<hbm>>) target_semaphore(%run_scoped3A : memref<!tpu.dma_semaphore, #tpu.memory_space<semaphore_mem>>)
        %dma_wait3A_50 = arith.constant 0 : i32
        %dma_wait3A_51 = tpu.memref_slice %arg4[%add3A_30, %dma_wait3A_50] : memref<425984x32xf32, #tpu.memory_space<hbm>> -> memref<512x32xf32, #tpu.memory_space<hbm>>
        %dma_wait3A_52 = arith.constant 0 : i32
        %dma_wait3A_53 = tpu.memref_slice %arg4[%add3A_30, %dma_wait3A_52] : memref<425984x32xf32, #tpu.memory_space<hbm>> -> memref<512x32xf32, #tpu.memory_space<hbm>>
        tpu.wait_dma2 semaphore(%run_scoped3A : memref<!tpu.dma_semaphore, #tpu.memory_space<semaphore_mem>>) src(%arg6 : memref<512x32xf32, #tpu.memory_space<vmem>>) dst(%dma_wait3A_53 : memref<512x32xf32, #tpu.memory_space<hbm>>)
        tpu.yield
      }) : () -> ()
      %add3A_31 = arith.constant 2 : i32
      %add3A_32 = arith.addi %mul3A_14, %add3A_31 : i32
      %lt3A = arith.constant 26 : i32
      %lt3A_33 = arith.cmpi slt, %add3A_32, %lt3A : i32
      %convert_element_type3A = arith.extui %lt3A_33 : i1 to i32
      %cond3A = arith.constant 0 : i32
      %cond3A_34 = arith.cmpi ne, %convert_element_type3A, %cond3A : i32
      scf.if %cond3A_34 {
        %add3A_46 = arith.constant 2 : i32
        %add3A_47 = arith.addi %mul3A_14, %add3A_46 : i32
        %mul3A_48 = arith.constant 512 : i32
        %mul3A_49 = arith.muli %add3A_47, %mul3A_48 : i32
        %dma_start3A_50 = tpu.memref_slice %arg5[%mul3A_49] : memref<13312xi32, #tpu.memory_space<vmem>> -> memref<512xi32, #tpu.memory_space<vmem>>
        %dma_start3A_51 = arith.constant 0 : i32
        %dma_start3A_52 = arith.constant 0 : i32
        %dma_start3A_53 = tpu.memref_slice %arg2[%dma_start3A_51, %dma_start3A_52] : memref<2600000x32xf32, #tpu.memory_space<hbm>> -> memref<2600000x32xf32, #tpu.memory_space<hbm>>
        tpu.enqueue_indirect_dma source(%dma_start3A_53 : memref<2600000x32xf32, #tpu.memory_space<hbm>>) target(%arg6 : memref<512x32xf32, #tpu.memory_space<vmem>>) offsets(%dma_start3A_50 : memref<512xi32, #tpu.memory_space<vmem>>) semaphore(%arg8 : memref<!tpu.dma_semaphore, #tpu.memory_space<semaphore_mem>>)
      } else {
      }
      %dma_wait3A_35 = arith.constant 0 : i32
      %dma_wait3A_36 = arith.constant 0 : i32
      %dma_wait3A_37 = tpu.memref_slice %arg2[%dma_wait3A_35, %dma_wait3A_36] : memref<2600000x32xf32, #tpu.memory_space<hbm>> -> memref<512x32xf32, #tpu.memory_space<hbm>>
      %dma_wait3A_38 = arith.constant 0 : i32
      %dma_wait3A_39 = arith.constant 0 : i32
      %dma_wait3A_40 = tpu.memref_slice %arg2[%dma_wait3A_38, %dma_wait3A_39] : memref<2600000x32xf32, #tpu.memory_space<hbm>> -> memref<512x32xf32, #tpu.memory_space<hbm>>
      tpu.wait_dma2 semaphore(%arg9 : memref<!tpu.dma_semaphore, #tpu.memory_space<semaphore_mem>>) src(%dma_wait3A_40 : memref<512x32xf32, #tpu.memory_space<hbm>>) dst(%arg7 : memref<512x32xf32, #tpu.memory_space<vmem>>)
      %add3A_41 = arith.constant 1 : i32
      %add3A_42 = arith.addi %mul3A_14, %add3A_41 : i32
      %mul3A_43 = arith.constant 512 : i32
      %mul3A_44 = arith.muli %add3A_42, %mul3A_43 : i32
      %add3A_45 = arith.addi %mul3A_2, %mul3A_44 : i32
      "tpu.region"() ({
        %run_scoped3A = tpu.sem_alloc : memref<!tpu.dma_semaphore, #tpu.memory_space<semaphore_mem>>
        %dma_start3A_46 = arith.constant 0 : i32
        %dma_start3A_47 = tpu.memref_slice %arg4[%add3A_45, %dma_start3A_46] : memref<425984x32xf32, #tpu.memory_space<hbm>> -> memref<512x32xf32, #tpu.memory_space<hbm>>
        %dma_start3A_48 = arith.constant 0 : i32
        %dma_start3A_49 = tpu.memref_slice %arg4[%add3A_45, %dma_start3A_48] : memref<425984x32xf32, #tpu.memory_space<hbm>> -> memref<512x32xf32, #tpu.memory_space<hbm>>
        tpu.enqueue_dma source(%arg7 : memref<512x32xf32, #tpu.memory_space<vmem>>) target(%dma_start3A_49 : memref<512x32xf32, #tpu.memory_space<hbm>>) target_semaphore(%run_scoped3A : memref<!tpu.dma_semaphore, #tpu.memory_space<semaphore_mem>>)
        %dma_wait3A_50 = arith.constant 0 : i32
        %dma_wait3A_51 = tpu.memref_slice %arg4[%add3A_45, %dma_wait3A_50] : memref<425984x32xf32, #tpu.memory_space<hbm>> -> memref<512x32xf32, #tpu.memory_space<hbm>>
        %dma_wait3A_52 = arith.constant 0 : i32
        %dma_wait3A_53 = tpu.memref_slice %arg4[%add3A_45, %dma_wait3A_52] : memref<425984x32xf32, #tpu.memory_space<hbm>> -> memref<512x32xf32, #tpu.memory_space<hbm>>
        tpu.wait_dma2 semaphore(%run_scoped3A : memref<!tpu.dma_semaphore, #tpu.memory_space<semaphore_mem>>) src(%arg7 : memref<512x32xf32, #tpu.memory_space<vmem>>) dst(%dma_wait3A_53 : memref<512x32xf32, #tpu.memory_space<hbm>>)
        tpu.yield
      }) : () -> ()
    }
    %scan3A_11 = arith.constant 13 : i32
    return
  }
}

module attributes {stable_mosaic.version = 14 : i64} {
  func.func @_mlp_body(%arg0: i32, %arg1: memref<512x832xf32, #tpu.memory_space<vmem>>, %arg2: memref<512x13xf32, #tpu.memory_space<vmem>>, %arg3: memref<832x128xf32, #tpu.memory_space<vmem>>, %arg4: memref<13x128xf32, #tpu.memory_space<vmem>>, %arg5: memref<1x128xf32, #tpu.memory_space<vmem>>, %arg6: memref<128x64xf32, #tpu.memory_space<vmem>>, %arg7: memref<1x64xf32, #tpu.memory_space<vmem>>, %arg8: memref<1x64xf32, #tpu.memory_space<vmem>>, %arg9: memref<1x1xf32, #tpu.memory_space<vmem>>, %arg10: memref<512x1xf32, #tpu.memory_space<vmem>>) attributes {dimension_semantics = [#tpu.dimension_semantics<arbitrary>], iteration_bounds = array<i64: 32>, scalar_prefetch = 0 : i64, scratch_operands = 0 : i64, tpu.core_type = #tpu.core_type<tc>, window_params = [{transform_indices = @transform_0, window_bounds = array<i64: 512, 832>}, {transform_indices = @transform_1, window_bounds = array<i64: 512, 13>}, {pipeline_mode = #tpu.pipeline_mode<synchronous>, transform_indices = @transform_2, window_bounds = array<i64: 832, 128>}, {pipeline_mode = #tpu.pipeline_mode<synchronous>, transform_indices = @transform_3, window_bounds = array<i64: 13, 128>}, {pipeline_mode = #tpu.pipeline_mode<synchronous>, transform_indices = @transform_4, window_bounds = array<i64: 1, 128>}, {pipeline_mode = #tpu.pipeline_mode<synchronous>, transform_indices = @transform_5, window_bounds = array<i64: 128, 64>}, {pipeline_mode = #tpu.pipeline_mode<synchronous>, transform_indices = @transform_6, window_bounds = array<i64: 1, 64>}, {pipeline_mode = #tpu.pipeline_mode<synchronous>, transform_indices = @transform_7, window_bounds = array<i64: 1, 64>}, {pipeline_mode = #tpu.pipeline_mode<synchronous>, transform_indices = @transform_8, window_bounds = array<i64: 1, 1>}, {transform_indices = @transform_9, window_bounds = array<i64: 512, 1>}]} {
    %get3A = arith.constant 0 : index
    %get3A_0 = arith.constant 0 : index
    %get3A_1 = vector.load %arg1[%get3A, %get3A_0] : memref<512x832xf32, #tpu.memory_space<vmem>>, vector<512x832xf32>
    %get3A_2 = arith.constant 0 : index
    %get3A_3 = arith.constant 0 : index
    %get3A_4 = vector.load %arg3[%get3A_2, %get3A_3] : memref<832x128xf32, #tpu.memory_space<vmem>>, vector<832x128xf32>
    %dot_general3A = arith.constant dense<0.000000e+00> : vector<512x128xf32>
    %dot_general3A_5 = tpu.matmul %get3A_1, %get3A_4, %dot_general3A {dimension_numbers = #tpu.dot_dimension_numbers<[1], [0], [0], [1], [0, 0, 1, 1], [], []>, transpose_lhs_hint = false} : vector<512x832xf32>, vector<832x128xf32>, vector<512x128xf32> -> vector<512x128xf32>
    %get3A_6 = arith.constant 0 : index
    %get3A_7 = arith.constant 0 : index
    %get3A_8 = vector.load %arg2[%get3A_6, %get3A_7] : memref<512x13xf32, #tpu.memory_space<vmem>>, vector<512x13xf32>
    %get3A_9 = arith.constant 0 : index
    %get3A_10 = arith.constant 0 : index
    %get3A_11 = vector.load %arg4[%get3A_9, %get3A_10] : memref<13x128xf32, #tpu.memory_space<vmem>>, vector<13x128xf32>
    %dot_general3A_12 = arith.constant dense<0.000000e+00> : vector<512x128xf32>
    %dot_general3A_13 = tpu.matmul %get3A_8, %get3A_11, %dot_general3A_12 {dimension_numbers = #tpu.dot_dimension_numbers<[1], [0], [0], [1], [0, 0, 1, 1], [], []>, transpose_lhs_hint = false} : vector<512x13xf32>, vector<13x128xf32>, vector<512x128xf32> -> vector<512x128xf32>
    %add3A = arith.addf %dot_general3A_5, %dot_general3A_13 : vector<512x128xf32>
    %get3A_14 = arith.constant 0 : index
    %get3A_15 = arith.constant 0 : index
    %get3A_16 = vector.load %arg5[%get3A_14, %get3A_15] : memref<1x128xf32, #tpu.memory_space<vmem>>, vector<1x128xf32>
    %add3A_17 = vector.broadcast %get3A_16 : vector<1x128xf32> to vector<512x128xf32>
    %add3A_18 = arith.addf %add3A, %add3A_17 : vector<512x128xf32>
    %max3A = arith.constant 0.000000e+00 : f32
    %max3A_19 = vector.broadcast %max3A : f32 to vector<512x128xf32>
    %max3A_20 = arith.maximumf %add3A_18, %max3A_19 : vector<512x128xf32>
    %get3A_21 = arith.constant 0 : index
    %get3A_22 = arith.constant 0 : index
    %get3A_23 = vector.load %arg6[%get3A_21, %get3A_22] : memref<128x64xf32, #tpu.memory_space<vmem>>, vector<128x64xf32>
    %dot_general3A_24 = arith.constant dense<0.000000e+00> : vector<512x64xf32>
    %dot_general3A_25 = tpu.matmul %max3A_20, %get3A_23, %dot_general3A_24 {dimension_numbers = #tpu.dot_dimension_numbers<[1], [0], [0], [1], [0, 0, 1, 1], [], []>, transpose_lhs_hint = false} : vector<512x128xf32>, vector<128x64xf32>, vector<512x64xf32> -> vector<512x64xf32>
    %get3A_26 = arith.constant 0 : index
    %get3A_27 = arith.constant 0 : index
    %get3A_28 = vector.load %arg7[%get3A_26, %get3A_27] : memref<1x64xf32, #tpu.memory_space<vmem>>, vector<1x64xf32>
    %add3A_29 = vector.broadcast %get3A_28 : vector<1x64xf32> to vector<512x64xf32>
    %add3A_30 = arith.addf %dot_general3A_25, %add3A_29 : vector<512x64xf32>
    %max3A_31 = arith.constant 0.000000e+00 : f32
    %max3A_32 = vector.broadcast %max3A_31 : f32 to vector<512x64xf32>
    %max3A_33 = arith.maximumf %add3A_30, %max3A_32 : vector<512x64xf32>
    %get3A_34 = arith.constant 0 : index
    %get3A_35 = arith.constant 0 : index
    %get3A_36 = vector.load %arg8[%get3A_34, %get3A_35] : memref<1x64xf32, #tpu.memory_space<vmem>>, vector<1x64xf32>
    %mul3A = vector.broadcast %get3A_36 : vector<1x64xf32> to vector<512x64xf32>
    %mul3A_37 = arith.mulf %max3A_33, %mul3A : vector<512x64xf32>
    %reduce_sum3A = arith.constant dense<0.000000e+00> : vector<512xf32>
    %reduce_sum3A_38 = vector.multi_reduction <add>, %mul3A_37, %reduce_sum3A [1] : vector<512x64xf32> to vector<512xf32>
    %broadcast_in_dim3A = vector.shape_cast %reduce_sum3A_38 : vector<512xf32> to vector<512x1xf32>
    %get3A_39 = arith.constant 0 : index
    %get3A_40 = arith.constant 0 : index
    %get3A_41 = vector.load %arg9[%get3A_39, %get3A_40] : memref<1x1xf32, #tpu.memory_space<vmem>>, vector<1x1xf32>
    %add3A_42 = vector.broadcast %get3A_41 : vector<1x1xf32> to vector<512x1xf32>
    %add3A_43 = arith.addf %broadcast_in_dim3A, %add3A_42 : vector<512x1xf32>
    %swap3A = arith.constant 0 : index
    %swap3A_44 = arith.constant 0 : index
    %swap3A_45 = vector.load %arg10[%swap3A, %swap3A_44] : memref<512x1xf32, #tpu.memory_space<vmem>>, vector<512x1xf32>
    tpu.vector_store %arg10[%swap3A, %swap3A_44], %add3A_43 {strides = array<i32>} : memref<512x1xf32, #tpu.memory_space<vmem>>, vector<512x1xf32>,
    return
  }
  func.func @transform_0(%arg0: i32) -> (i32, i32) {
    %c0_i32 = arith.constant 0 : i32
    %c0_i32_0 = arith.constant 0 : i32
    return %arg0, %c0_i32 : i32, i32
  }
  func.func @transform_1(%arg0: i32) -> (i32, i32) {
    %c0_i32 = arith.constant 0 : i32
    %c0_i32_0 = arith.constant 0 : i32
    return %arg0, %c0_i32 : i32, i32
  }
  func.func @transform_2(%arg0: i32) -> (i32, i32) {
    %c0_i32 = arith.constant 0 : i32
    %c0_i32_0 = arith.constant 0 : i32
    %c0_i32_1 = arith.constant 0 : i32
    return %c0_i32, %c0_i32_0 : i32, i32
  }
  func.func @transform_3(%arg0: i32) -> (i32, i32) {
    %c0_i32 = arith.constant 0 : i32
    %c0_i32_0 = arith.constant 0 : i32
    %c0_i32_1 = arith.constant 0 : i32
    return %c0_i32, %c0_i32_0 : i32, i32
  }
  func.func @transform_4(%arg0: i32) -> (i32, i32) {
    %c0_i32 = arith.constant 0 : i32
    %c0_i32_0 = arith.constant 0 : i32
    %c0_i32_1 = arith.constant 0 : i32
    return %c0_i32, %c0_i32_0 : i32, i32
  }
  func.func @transform_5(%arg0: i32) -> (i32, i32) {
    %c0_i32 = arith.constant 0 : i32
    %c0_i32_0 = arith.constant 0 : i32
    %c0_i32_1 = arith.constant 0 : i32
    return %c0_i32, %c0_i32_0 : i32, i32
  }
  func.func @transform_6(%arg0: i32) -> (i32, i32) {
    %c0_i32 = arith.constant 0 : i32
    %c0_i32_0 = arith.constant 0 : i32
    %c0_i32_1 = arith.constant 0 : i32
    return %c0_i32, %c0_i32_0 : i32, i32
  }
  func.func @transform_7(%arg0: i32) -> (i32, i32) {
    %c0_i32 = arith.constant 0 : i32
    %c0_i32_0 = arith.constant 0 : i32
    %c0_i32_1 = arith.constant 0 : i32
    return %c0_i32, %c0_i32_0 : i32, i32
  }
  func.func @transform_8(%arg0: i32) -> (i32, i32) {
    %c0_i32 = arith.constant 0 : i32
    %c0_i32_0 = arith.constant 0 : i32
    %c0_i32_1 = arith.constant 0 : i32
    return %c0_i32, %c0_i32_0 : i32, i32
  }
  func.func @transform_9(%arg0: i32) -> (i32, i32) {
    %c0_i32 = arith.constant 0 : i32
    %c0_i32_0 = arith.constant 0 : i32
    return %arg0, %c0_i32 : i32, i32
  }
}

</mosaic_0001>

<sc_bundles>
// kernel: kernel.4.cloned.1.call-start
scs
__scs_entry_jumppad:
0x0: {  	(pc) =	sbr.rel $0x88, $3  }
0x1: {  	(tag) =	ssettag $0x0;
	lr =	simm.s32 $0x1  }
0x2: {  	[smem:$0x3F98] =	sst lr;
	_ =	strace $0xD0000000  }
0x3: {  	_ = 	snop  }
0x4: {  	_ = 	snop  }
0x5: {  	_ = 	snop  }
0x6: {  	_ = 	snop  }
0x7: {  	_ = 	snop  }
__scs_overlays_trampoline_lowered:
0x8: {  	[smem:$0x3FA7] =	sst s0  }
0x9: {  	[smem:$0x3FA8] =	sst s1  }
0xa: {  	[smem:$0x3FA9] =	sst s2  }
0xb: {  	[smem:$0x3FAA] =	sst s3  }
0xc: {  	[smem:$0x3FAB] =	sst s4  }
0xd: {  	[smem:$0x3FAC] =	sst s5  }
0xe: {  	[smem:$0x3FAD] =	sst s6  }
0xf: {  	[smem:$0x3FAE] =	sst s7  }
0x10: {  	[smem:$0x3FAF] =	sst s8  }
0x11: {  	[smem:$0x3FB0] =	sst s9;
	s0 =	simm.s32 @!p0 $0x0  }
0x12: {  	s1 =	sld [smem:$0x3F96];
	s0 =	simm.s32 @p0 $0x1  }
0x13: {  	[smem:$0x3FB1] =	sst s0;
	s0 =	simm.s32 @!p1 $0x0  }
0x14: {  	s2 =	sld [smem:$0x3F95];
	s0 =	simm.s32 @p1 $0x1  }
0x15: {  	[smem:$0x3FB2] =	sst s0;
	s0 =	simm.s32 @!p2 $0x0  }
0x16: {  	s3 =	sld [smem:$0x3FDB];
	s0 =	simm.s32 @p2 $0x1  }
0x17: {  	s4 =	simm.s32 $0x1BF5;
	[smem:$0x3FB4] =	sst s0  }
0x18: {  	s0 =	sld [smem:$0x3F97];
	_ =	swait.ge [sflag:s4], $0x0  }
0x19: {  	s7 =	sld [smem:$0x3F98]  }
0x1a: {  	s8 =	sadd.s32 $0xFFFFE003, lr  }
0x1b: {  	s9 =	sadd.s32 $0xFFFFFEF7, lr;
	s5 =	simm.s32 $0xFFFFFFFF;
	p2 =	slt.u32 s8, $0xFFFFF086  }
0x1c: {  	p1 =	slt.u32 s9, $0xF7A;
	s5 =	simm.s32 @!p2 $0x0  }
0x1d: {  	s5 =	simm.s32 @p1 $0x1;
	p0 =	seq.s32 s7, s2  }
0x1e: {  	s7 =	smul.u32 @!p0 $0xF7A, s2;
	p2 =	seq.s32 @!p0 s5, $0x0  }
0x1f: {  	s9 =	smul.u32 $0xF7A, s1;
	s8 =	simm.s32 @!p0 $0x1BF5;
	p2 =	por !p2, p0  }
0x20: {  	[sflag:s8] =	ssyncset.s32 @!p0 $0xFFFFF086;
	s6 =	sadd.s32 @!p0 s3, s7;
	s7 =	simm.s32 @!p0 $0x108  }
0x21: {  	s3 =	sadd.s32 s3, s9;
	s6 =	sadd.s32 @!p0 $0x88, s6;
	s7 =	simm.s32 @p2 $0x1082  }
0x22: {  	[simem:s7], [sflag:s8] =	dma.local @!p0 [hbm:s6], $0xF7A  }
0x23: {  	s9 =	sor.u32 $0xD0000000, s2;
	s6 =	simm.s32 $0x108;
	_ =	swait.ge @!p0 [sflag:s8], $0x0  }
0x24: {  	s3 =	sadd.s32 $0x88, s3;
	s6 =	simm.s32 @!p1 $0x1082;
	[sflag:s4] =	ssyncset.s32 $0xFFFFF086  }
0x25: {  	[simem:s6], [sflag:s4] =	dma.local [hbm:s3], $0xF7A  }
0x26: {  	[smem:$0x3F98] =	sst s1;
	(tag) =	ssettag s2;
	_ =	strace s9  }
0x27: {  	s1 =	sld [smem:$0x3FA8]  }
0x28: {  	s2 =	sld [smem:$0x3FA9]  }
0x29: {  	s4 =	sld [smem:$0x3FAB]  }
0x2a: {  	p0 =	seq.s32 s5, $0x0;
	s5 =	sld [smem:$0x3FAC]  }
0x2b: {  	s6 =	sld [smem:$0x3FAD]  }
0x2c: {  	s7 =	sld [smem:$0x3FAE]  }
0x2d: {  	s3 =	simm.s32 $0x108;
	s8 =	sld [smem:$0x3FAF]  }
0x2e: {  	s3 =	simm.s32 @!p0 $0x1082;
	s9 =	sld [smem:$0x3FB0]  }
0x2f: {  	lr =	sadd.s32 s0, s3;
	s0 =	sld [smem:$0x3FA7]  }
0x30: {  	s3 =	sld [smem:$0x3FAA]  }
0x31: {  	[smem:$0x3FB3] =	sst s10  }
0x32: {  	s10 =	sld [smem:$0x3FB1];
	_ =	sdelay $0x3  }
0x33: {  	p0 =	seq.s32 s10, $0x1;
	s10 =	sld [smem:$0x3FB3];
	_ =	sdelay $0x3  }
0x34: {  	[smem:$0x3FB3] =	sst s10  }
0x35: {  	s10 =	sld [smem:$0x3FB2];
	_ =	sdelay $0x3  }
0x36: {  	p1 =	seq.s32 s10, $0x1;
	s10 =	sld [smem:$0x3FB3];
	_ =	sdelay $0x3  }
0x37: {  	[smem:$0x3FB3] =	sst s10  }
0x38: {  	s10 =	sld [smem:$0x3FB4]  }
0x39: {  	_ = 	snop;
	(pc) =	sbr.ind lr, $3  }
0x3a: {  	_ = 	snop  }
0x3b: {  	_ = 	snop  }
0x3c: {  	p2 =	seq.s32 s10, $0x1;
	s10 =	sld [smem:$0x3FB3]  }
0x3d: {  	_ =	shalt  }
0x3e: {  	_ =	shalt  }
0x3f: {  	_ =	shalt  }
0x40: {  	_ =	shalt  }
0x41: {  	_ =	shalt  }
0x42: {  	_ =	shalt  }
0x43: {  	_ =	shalt  }
0x44: {  	_ =	shalt  }
0x45: {  	_ =	shalt  }
0x46: {  	_ =	shalt  }
0x47: {  	_ =	shalt  }
0x48: {  	_ =	shalt  }
0x49: {  	_ =	shalt  }
0x4a: {  	_ =	shalt  }
0x4b: {  	_ =	shalt  }
0x4c: {  	_ =	shalt  }
0x4d: {  	_ =	shalt  }
0x4e: {  	_ =	shalt  }
0x4f: {  	_ =	shalt  }
0x50: {  	_ =	shalt  }
0x51: {  	_ =	shalt  }
0x52: {  	_ =	shalt  }
0x53: {  	_ =	shalt  }
0x54: {  	_ =	shalt  }
0x55: {  	_ =	shalt  }
0x56: {  	_ =	shalt  }
0x57: {  	_ =	shalt  }
0x58: {  	_ =	shalt  }
0x59: {  	_ =	shalt  }
0x5a: {  	_ =	shalt  }
0x5b: {  	_ =	shalt  }
0x5c: {  	_ =	shalt  }
0x5d: {  	_ =	shalt  }
0x5e: {  	_ =	shalt  }
0x5f: {  	_ =	shalt  }
0x60: {  	_ =	shalt  }
0x61: {  	_ =	shalt  }
0x62: {  	_ =	shalt  }
0x63: {  	_ =	shalt  }
0x64: {  	_ =	shalt  }
0x65: {  	_ =	shalt  }
0x66: {  	_ =	shalt  }
0x67: {  	_ =	shalt  }
0x68: {  	_ =	shalt  }
0x69: {  	_ =	shalt  }
0x6a: {  	_ =	shalt  }
0x6b: {  	_ =	shalt  }
0x6c: {  	_ =	shalt  }
0x6d: {  	_ =	shalt  }
0x6e: {  	_ =	shalt  }
0x6f: {  	_ =	shalt  }
0x70: {  	_ =	shalt  }
0x71: {  	_ =	shalt  }
0x72: {  	_ =	shalt  }
0x73: {  	_ =	shalt  }
0x74: {  	_ =	shalt  }
0x75: {  	_ =	shalt  }
0x76: {  	_ =	shalt  }
0x77: {  	_ =	shalt  }
0x78: {  	_ =	shalt  }
0x79: {  	_ =	shalt  }
0x7a: {  	_ =	shalt  }
0x7b: {  	_ =	shalt  }
0x7c: {  	_ =	shalt  }
0x7d: {  	_ =	shalt  }
0x7e: {  	_ =	shalt  }
0x7f: {  	_ =	shalt  }
0x80: {  	_ =	shalt  }
0x81: {  	_ =	shalt  }
0x82: {  	_ =	shalt  }
0x83: {  	_ =	shalt  }
0x84: {  	_ =	shalt  }
0x85: {  	_ =	shalt  }
0x86: {  	_ =	shalt  }
0x87: {  	_ =	shalt  }
.Lfunc_end0:
.L_simem_size_0:
called_computation_lowered:
.L_overlay_start_0:
0x88: {  	s2 =	sld [smem:$0x3FD9]  }
0x89: {  	s3 =	sld [smem:$0x3FFE];
	_ =	sdelay $0x1  }
0x8a: {  	s1 =	srdreg.scid  }
0x8b: {  	s0 =	sand.u32 $0x1, s1  }
0x8c: {  	s16 =	sshll.u32 s0, $0xA;
	s2 =	sadd.s32 s3, s2  }
0x8d: {  	s2 =	sadd.s32 s2, s16  }
0x8e: {  	[smem:$0x3FBF] =	sst s2  }
0x8f: {  	_ = 	snop  }
0x90: {  	(tm) =	ssettm $0x1  }
0x91: {  	s17 =	sld [smem:$0x3FFB];
	_ =	sdelay $0x3  }
0x92: {  	_ =	strace s17  }
0x93: {  	s2 =	sld [smem:$0x3FFC];
	_ =	sdelay $0x3  }
0x94: {  	_ =	strace s2  }
0x95: {  	s2 =	sld [smem:$0x3FFD];
	_ =	sdelay $0x3  }
0x96: {  	_ =	strace s2  }
0x97: {  	_ =	strace $0x8FFFFFFF  }
0x98: {  	s18 =	sld [smem:$0x3FDB];
	_ =	sdelay $0x1  }
0x99: {  	s19 =	simm.s32 $_scs_section_size  }
0x9a: {  	s4 =	simm.s32 $_size__tile_overlayer_lowered;
	s5 =	simm.s32 $_tile_overlayer_lowered  }
0x9b: {  	s22 =	simm.s32 $0x1BFF;
	s21 =	sshll.u32 s5, $0x1;
	s2 =	sadd.s32 s19, s18  }
0x9c: {  	s6 =	simm.s32 $0x0;
	s20 =	sshll.u32 s4, $0x1;
	s4 =	sadd.s32 s21, s2  }
0x9d: {  	[timem:s6], [sflag:s22] =	dma.local [hbm:s4], s20  }
0x9e: {  	_ =	swait.ge [sflag:s22], s20  }
0x9f: {  	s3 =	ssub.s32 $0x0, s20;
	[sflag:s22] =	ssyncset.done $0x0  }
0xa0: {  	[sflag:s22] =	ssyncadd.s32 s3;
	_ =	sdelay $0x1  }
0xa1: {  	s23 =	simm.s32 $0x1B8B  }
0xa2: {  	_ =	swait.ge [sflag:s23], $0x1  }
0xa3: {  	[sflag:s23] =	ssyncset.done $0x0  }
0xa4: {  	s25 =	simm.s32 $0x1B8E;
	s24 =	sld [smem:$0x3FFE];
	[sflag:s23] =	ssyncadd.s32 $0xFFFFFFFF  }
0xa5: {  	s26 =	simm.s32 $execute0_lowered;
	[smem:$0x3FD2] =	sst s25  }
0xa6: {  	s4 =	sshll.u32 s26, $0x1;
	_ =	strace $0x80000046;
	[dreg:$0x1] =	wrdreg $0xFFFFFFFF  }
0xa7: {  	s28 =	simm.s32 $_size_execute0_lowered;
	s2 =	sadd.s32 s2, s4;
	[dreg:$0x0] =	wrdreg $0x0  }
0xa8: {  	s4 =	sshll.u32 s28, $0x1;
	[dreg:$0x2] =	wrdreg s2  }
0xa9: {  	[dreg:$0x3] =	wrdreg s4  }
0xaa: {  	[dreg:$0x4] =	wrdreg $0xC0  }
0xab: {  	_ =	task [dreg:s6], $0x5FFFF  }
0xac: {  	[dreg:$0x1] =	wrdreg $0xFFFFFFFF  }
0xad: {  	[dreg:$0x0] =	wrdreg $0x60  }
0xae: {  	[dreg:$0x2] =	wrdreg s24  }
0xaf: {  	[dreg:$0x3] =	wrdreg $0x9  }
0xb0: {  	_ =	task.clear_ibuf [dreg:s6], $0x4FFFF;
	_ =	strace $0x90000046  }
0xb1: {  	s29 =	simm.s32 $0x9;
	_ =	strace $0x80000048  }
0xb2: {  	_ =	swait.ge [sflag:s29], $0x1  }
0xb3: {  	[sflag:s29] =	ssyncadd.s32 $0xFFFFFFFF  }
0xb4: {  	_ =	strace $0x90000048  }
0xb5: {  	_ =	sfence  }
0xb6: {  	s30 =	sld [smem:$0x0];
	_ =	sdelay $0x2  }
0xb7: {  	s31 =	sshll.u32 s1, $0xD;
	s1 =	sshrl.u32 s1, $0x2  }
0xb8: {  	s3 =	sand.u32 $0x4000, s31;
	s1 =	sadd.s32 s1, s30  }
0xb9: {  	s0 =	sor.u32 s3, s0;
	s1 =	sshll.u32 s1, $0x11  }
0xba: {  	s0 =	sor.u32 s1, s0  }
0xbb: {  	s0 =	sadd.s32 $0x8F2B, s0  }
0xbc: {  	[sflag:s0] =	ssyncadd.remote.s32 $0x1  }
0xbd: {  	_ =	sfence.sel $0xFFFF  }
0xbe: {  	[dreg:$0x0] =	wrdreg $0xFFFFFFFF;
	(pc) =	sbr.abs _section_cstart, $3  }
0xbf: {  	[dreg:$0x1] =	wrdreg $0xFFFFFFFF  }
0xc0: {  	_ =	task.clear_ibuf [dreg:s6], $0x2FFFF;
	_ =	strace $0x9FFFFFFF  }
0xc1: {  	(tm) =	ssettm $0x7FFFFFFF  }
tec
execute0_lowered:
.L_overlay_start_1:
0x0: {  	(tag) =	ssettag $0x1  }
0x1: {  	s4 =	rddreg [dreg:$0x0]  }
0x2: {  	s0 =	rddreg [dreg:$0x1]  }
0x3: {  	s3 =	srdreg.scid;
	s1 =	stileid.u32  }
0x4: {  	s2 =	simm.s32 $0x0;
	s14 =	simm.s32 $0x7400;
	s10 =	smul.u32 $0xD0000, s1  }
0x5: {  	s15 =	simm.s32 $0x2;
	s5 =	sand.u32 $0x1, s3;
	s25 =	smul.u32 $0x6800, s1  }
0x6: {  	s16 =	simm.s32 $0x3200;
	s24 =	sshll.u32 s1, $0x1;
	s12 =	smul.u32 $0x68000, s5  }
0x7: {  	s17 =	simm.s32 $0x0;
	s6 =	sor.u32 s5, s24;
	s28 =	smul.u32 $0x3400, s5  }
0x8: {  	[smem:$0x7FF] =	sst s2;
	s3 =	sadd.s32 $0x27AD400, s4;
	s7 =	smul.u32 $0x3400, s6  }
0x9: {  	s13 =	sadd.s32 $0xE000, s4;
	s9 =	ssub.s32 $0x2, s5;
	s8 =	smul.u32 $0x68000, s6  }
0xa: {  	_ =	strace $0x80000047;
	s11 =	sshrl.u32 s9, $0x1;
	s29 =	smul.u32 $0xD000, s6  }
0xb: {  	s9 =	ssub.s32 s9, s11;
	s30 =	sadd.s32 s12, s10;
	s12 =	simm.s32 $0x3400  }
0xc: {  	s7 =	sshrl.u32 s7, $0x3;
	s26 =	sshrl.u32 s8, $0x3;
	s5 =	smax.u32 s9, $0x1  }
0xd: {  	s8 =	sadd.s32 s28, s25;
	s9 =	sadd.s32 s13, s29;
	s10 =	sshrl.u32 s30, $0x3  }
0xe: {  	s7 =	sadd.s32 s7, s4;
	s11 =	sshll.u32 s8, $0x2;
	s8 =	sadd.s32 s10, s13  }
0xf: {  	s10 =	simm.s32 $0x3;
	s4 =	sadd.s32 $0x1000, s7;
	s7 =	sadd.s32 s13, s26  }
0x10: {  	s31 =	sadd.s32 s11, s13;
	s11 =	simm.s32 $0x200;
	s13 =	simm.s32 $0x1  }
0x11: {  	s6 =	sadd.s32 $0xC000, s7;
	s7 =	sadd.s32 $0xC800, s9;
	s9 =	sadd.s32 $0x800, s31  }
.LBB2_1:
0x12: {  	[tilespmem:s2], [sflag:$0x3] =	stream.linear.gather [hbm4b:s4+s2], $0x3400, $0x38;
	[tilespmem:$0xB400] =	vst v63  }
0x13: {  	_ =	swait.ge [sflag:s10], $0x3400  }
0x14: {  	[sflag:s10] =	ssyncset.done $0x0  }
0x15: {  	[sflag:s10] =	ssyncadd.s32 $0xFFFFCC00  }
0x16: {  	[tilespmem:s12], [sflag:$0x1] =	stream.indirect.gather [hbm4b:s3+s11], $0x20, s2, s11, $0xb8;
	[tilespmem:$0xB400] =	vst v63  }
0x17: {  	_ =	swait.ge [sflag:s13], $0x4000  }
0x18: {  	[sflag:s13] =	ssyncset.done $0x0  }
0x19: {  	s18 =	simm.s32 $0x200;
	[sflag:s13] =	ssyncadd.s32 $0xFFFFC000  }
0x1a: {  	[tilespmem:s14], [sflag:$0x2] =	stream.indirect.gather [hbm4b:s3+s11], $0x20, s18, s11, $0xb8;
	[tilespmem:$0xB400] =	vst v63  }
0x1b: {  	s29 =	sadd.s32 $0x0, s8  }
0x1c: {  	[hbm4b:s29+s2] =	stream.linear.scatter [tilespmem:s12], [sflag:$0x3], $0x4000, $0x38;
	[tilespmem:$0xB400] =	vst v63  }
0x1d: {  	_ =	swait.ge [sflag:s10], $0x4000  }
0x1e: {  	[sflag:s10] =	ssyncset.done $0x0  }
0x1f: {  	s30 =	simm.s32 $0x400;
	[sflag:s10] =	ssyncadd.s32 $0xFFFFC000  }
0x20: {  	[tilespmem:s12], [sflag:$0x1] =	stream.indirect.gather [hbm4b:s3+s11], $0x20, s30, s11, $0xb8;
	[tilespmem:$0xB400] =	vst v63  }
0x21: {  	_ =	swait.ge [sflag:s15], $0x4000  }
0x22: {  	[sflag:s15] =	ssyncset.done $0x0  }
0x23: {  	s31 =	sadd.s32 $0x0, s9;
	[sflag:s15] =	ssyncadd.s32 $0xFFFFC000  }
0x24: {  	[hbm4b:s31+s2] =	stream.linear.scatter [tilespmem:s14], [sflag:$0x3], $0x4000, $0x38;
	[tilespmem:$0xB400] =	vst v63  }
0x25: {  	_ =	swait.ge [sflag:s10], $0x4000  }
0x26: {  	s18 =	simm.s32 $0x1000;
	[sflag:s10] =	ssyncset.done $0x0  }
.LBB2_2:
0x27: {  	p0 =	sne.s32 s18, $0xB000  }
0x28: {  	[sflag:s10] =	ssyncadd.s32 $0xFFFFC000;
	s19 =	smov.u32 s18;
	s18 =	sadd.s32 $0x1000, s18  }
0x29: {  	_ =	swait.ge [sflag:s13], $0x4000  }
0x2a: {  	s20 =	sshra.s32 s19, $0x2;
	[sflag:s13] =	ssyncset.done $0x0  }
0x2b: {  	s21 =	sadd.s32 $0x200, s20;
	[sflag:s13] =	ssyncadd.s32 $0xFFFFC000  }
0x2c: {  	[tilespmem:s14], [sflag:$0x2] =	stream.indirect.gather [hbm4b:s3+s11], $0x20, s21, s11, $0xb8;
	[tilespmem:$0xB400] =	vst v63  }
0x2d: {  	s21 =	sadd.s32 s19, s8  }
0x2e: {  	[hbm4b:s21+s2] =	stream.linear.scatter [tilespmem:s12], [sflag:$0x3], $0x4000, $0x38;
	[tilespmem:$0xB400] =	vst v63  }
0x2f: {  	_ =	swait.ge [sflag:s10], $0x4000  }
0x30: {  	[sflag:s10] =	ssyncset.done $0x0  }
0x31: {  	s20 =	sadd.s32 $0x400, s20;
	[sflag:s10] =	ssyncadd.s32 $0xFFFFC000  }
0x32: {  	[tilespmem:s12], [sflag:$0x1] =	stream.indirect.gather [hbm4b:s3+s11], $0x20, s20, s11, $0xb8;
	[tilespmem:$0xB400] =	vst v63  }
0x33: {  	_ =	swait.ge [sflag:s15], $0x4000  }
.Ltmp0:
0x34: {  	[sflag:s15] =	ssyncset.done $0x0;
	(pc) =	sbr.rel @p0 .LBB2_2-.Ltmp0, $4  }
0x35: {  	s19 =	sadd.s32 s19, s9;
	[sflag:s15] =	ssyncadd.s32 $0xFFFFC000  }
0x36: {  	[hbm4b:s19+s2] =	stream.linear.scatter [tilespmem:s14], [sflag:$0x3], $0x4000, $0x38;
	[tilespmem:$0xB400] =	vst v63  }
0x37: {  	_ =	swait.ge [sflag:s10], $0x4000  }
0x38: {  	[sflag:s10] =	ssyncset.done $0x0  }
0x39: {  	[sflag:s10] =	ssyncadd.s32 $0xFFFFC000  }
0x3a: {  	_ =	swait.ge [sflag:s13], $0x4000  }
0x3b: {  	[sflag:s13] =	ssyncset.done $0x0  }
0x3c: {  	[sflag:s13] =	ssyncadd.s32 $0xFFFFC000  }
0x3d: {  	[tilespmem:s14], [sflag:$0x2] =	stream.indirect.gather [hbm4b:s3+s11], $0x20, s16, s11, $0xb8;
	[tilespmem:$0xB400] =	vst v63  }
0x3e: {  	_ = 	snop  }
0x3f: {  	[hbm4b:s6+s2] =	stream.linear.scatter [tilespmem:s12], [sflag:$0x3], $0x4000, $0x38;
	[tilespmem:$0xB400] =	vst v63  }
0x40: {  	_ =	swait.ge [sflag:s10], $0x4000  }
0x41: {  	[sflag:s10] =	ssyncset.done $0x0  }
0x42: {  	[sflag:s10] =	ssyncadd.s32 $0xFFFFC000  }
0x43: {  	s17 =	sadd.s32 $0x1, s17;
	_ =	swait.ge [sflag:s15], $0x4000  }
0x44: {  	p0 =	sne.s32 s17, s5;
	[sflag:s15] =	ssyncset.done $0x0  }
.Ltmp1:
0x45: {  	[sflag:s15] =	ssyncadd.s32 $0xFFFFC000;
	(pc) =	sbr.rel @p0 .LBB2_1-.Ltmp1, $4  }
0x46: {  	[hbm4b:s7+s2] =	stream.linear.scatter [tilespmem:s14], [sflag:$0x3], $0x4000, $0x38;
	[tilespmem:$0xB400] =	vst v63  }
0x47: {  	_ =	swait.ge [sflag:s10], $0x4000  }
0x48: {  	[sflag:s10] =	ssyncset.done $0x0  }
0x49: {  	[sflag:s10] =	ssyncadd.s32 $0xFFFFC000  }
0x4a: {  	_ =	sfence.sel $0x180000  }
0x4b: {  	[bflag:$0x0] =	sbarrier.arrive $0xFFFF  }
0x4c: {  	p0 =	sne.s32 s1, $0x0;
	_ =	strace $0x90000047  }
0x4d: {  	s0 =	sadd.s32 @!p0 $0x100000, s0;
	[bflag:$0x2] =	sbarrier.arrive $0xFFFF  }
0x4e: {  	[sflag:s0] =	ssyncadd.tile.s32 @!p0 $0x1;
	_ =	shalt  }
.Lfunc_end2:
_tile_overlayer_lowered:
.L_overlay_start_2:
0x4f: {  	(tag) =	ssettag $0x2  }
0x50: {  	s0 =	rddreg [dreg:$0x0];
	s2 =	stileid.u32  }
0x51: {  	s1 =	rddreg [dreg:$0x1];
	p0 =	sne.s32 s2, $0x0  }
0x52: {  	s3 =	rddreg [dreg:$0x2];
	[bflag:$0x3] =	sbarrier.arrive $0xFFFF;
	s2 =	simm.s32 @!p0 $0x1C03  }
0x53: {  	[timem:s3], [sflag:s2] =	dma.local @!p0 [hbm:s0], s1  }
0x54: {  	s0 =	simm.s32 @!p0 $0x3  }
0x55: {  	_ =	swait.ge @!p0 [sflag:s0], s1  }
0x56: {  	s1 =	ssub.s32 @!p0 $0x0, s1;
	[sflag:s0] =	ssyncset.done @!p0 $0x0  }
0x57: {  	[sflag:s0] =	ssyncadd.s32 @!p0 s1  }
0x58: {  	[bflag:$0x3] =	sbarrier.arrive $0xFFFF  }
0x59: {  	_ =	shalt  }

</sc_bundles>
